<compile_context>
chip_gen: v7x
topology: tpu7x:2x2x1
jax: 0.10.2.dev20260603
libtpu: 0.0.44.dev20260713+nightly
codegen_flags: <defaults>
</compile_context>

<pallas_src>
import functools

import jax
import jax.numpy as jnp
from jax import lax
from jax.experimental import pallas as pl
from jax.experimental.pallas import tpu as pltpu
from jax.experimental.pallas import tpu_sc as plsc

_K = 5
_ROWS_PER_STEP = 8
_NC = 2
_NS = 16
_L = 16


def _gather_tgt(xflat, tgt, b, v):
    bpw = b // (_NC * _NS)
    mesh = plsc.VectorSubcoreMesh(core_axis_name="c", subcore_axis_name="s")

    @functools.partial(
        pl.kernel,
        mesh=mesh,
        out_type=jax.ShapeDtypeStruct((b,), jnp.float32),
        scratch_types=[
            pltpu.VMEM((bpw,), jnp.int32),
            pltpu.VMEM((bpw,), jnp.int32),
            pltpu.VMEM((bpw,), jnp.float32),
            pltpu.SemaphoreType.DMA,
        ],
    )
    def k(xf_hbm, tgt_hbm, t_hbm, tgt_v, fidx_v, val_v, sem):
        wid = lax.axis_index("s") * _NC + lax.axis_index("c")
        base = wid * bpw
        pltpu.sync_copy(tgt_hbm.at[pl.ds(base, bpw)], tgt_v)
        for g in range(bpw // _L):
            tv = tgt_v[pl.ds(g * _L, _L)]
            rowid = base + g * _L + lax.iota(jnp.int32, _L)
            fidx_v[pl.ds(g * _L, _L)] = rowid * v + tv
        pltpu.async_copy(xf_hbm.at[fidx_v], val_v, sem).wait()
        pltpu.sync_copy(val_v, t_hbm.at[pl.ds(base, bpw)])

    return k(xflat, tgt)


def _body(tgt_ref, t_ref, x_ref, loss_ref, acc_ref):
    i = pl.program_id(0)
    nsteps = pl.num_programs(0)
    rb, v = x_ref.shape

    @pl.when(i == 0)
    def _init():
        acc_ref[0] = 0.0
        acc_ref[1] = 0.0

    x = x_ref[...]
    t = t_ref[...]

    s = jnp.sum(jnp.exp(x), axis=1, keepdims=True)
    lse = jnp.log(s)
    ce = lse - t

    cnt_gt = jnp.sum(jnp.where(x > t, 1.0, 0.0), axis=1, keepdims=True)
    cnt_ge = jnp.sum(jnp.where(x >= t, 1.0, 0.0), axis=1, keepdims=True)

    mis = cnt_gt > (_K - 0.5)
    acc_ref[0] += jnp.sum(jnp.where(mis, ce, 0.0))
    acc_ref[1] += jnp.sum(jnp.where(mis, 1.0, 0.0))

    @pl.when(jnp.sum(jnp.where(cnt_ge - cnt_gt > 1.5, 1.0, 0.0)) > 0.0)
    def _ties():
        tgt = tgt_ref[...]
        col = lax.broadcasted_iota(jnp.int32, (rb, v), 1)
        tie = (x == t) & (col < tgt)
        rank = cnt_gt + jnp.sum(jnp.where(tie, 1.0, 0.0), axis=1, keepdims=True)
        mis2 = rank > (_K - 0.5)
        acc_ref[0] += jnp.sum(jnp.where(mis2, ce, 0.0)) - jnp.sum(
            jnp.where(mis, ce, 0.0))
        acc_ref[1] += jnp.sum(jnp.where(mis2, 1.0, 0.0)) - jnp.sum(
            jnp.where(mis, 1.0, 0.0))

    @pl.when(i == nsteps - 1)
    def _fin():
        n = acc_ref[1]
        loss_ref[0, 0] = jnp.where(n > 0.0, acc_ref[0] / jnp.maximum(n, 1.0), 0.0)


def kernel(output, target):
    b, v = output.shape
    target = target.astype(jnp.int32)
    t = _gather_tgt(output.reshape(b * v), target, b, v)
    grid = b // _ROWS_PER_STEP
    out = pl.pallas_call(
        _body,
        grid=(grid,),
        in_specs=[
            pl.BlockSpec((_ROWS_PER_STEP, 1), lambda i: (i, 0)),
            pl.BlockSpec((_ROWS_PER_STEP, 1), lambda i: (i, 0)),
            pl.BlockSpec((_ROWS_PER_STEP, v), lambda i: (i, 0)),
        ],
        out_specs=pl.BlockSpec(memory_space=pltpu.SMEM),
        out_shape=jax.ShapeDtypeStruct((1, 1), jnp.float32),
        scratch_shapes=[pltpu.SMEM((2,), jnp.float32)],
    )(target.reshape(b, 1), t.reshape(b, 1), output)
    return out[0, 0]

# --- scband reference (transcript-rebuilt; emitter-appended) ---
"""Pipeline reference for scband-top-kloss-25082609009303 (READ-ONLY COPY).

The authoritative reference and input builder live on the scoring server;
editing this copy changes nothing except your own understanding.
"""

import jax, jax.numpy as jnp
import numpy as np

K = 5
B = 1024
VOCAB = 100000

def setup_inputs(seed: int = 0) -> dict:
    key = jax.random.key(seed)
    k1, k2 = jax.random.split(key)
    output = jax.random.normal(k1, (B, VOCAB), dtype=jnp.float32)
    target = jax.random.randint(k2, (B,), 0, VOCAB, dtype=jnp.int64 if jax.config.jax_enable_x64 else jnp.int32).astype(jnp.int32)
    return {"output": output, "target": target}

def reference(output, target):
    # top-k indices along vocab dim
    _, topk_indices = jax.lax.top_k(output, K)  # [B, K]
    # mask: True if target is within top-k predictions
    mask = jnp.any(topk_indices == target[:, None], axis=1)  # [B]
    misclassified_mask = ~mask
    # per-example cross entropy: logsumexp(logits) - logits[target]
    lse = jax.nn.logsumexp(output, axis=1)  # [B]
    tgt_logit = jnp.take_along_axis(output, target[:, None].astype(jnp.int32), axis=1)[:, 0]  # [B]
    ce = lse - tgt_logit  # [B]
    n_mis = jnp.sum(misclassified_mask.astype(jnp.float32))
    # CrossEntropyLoss default reduction='mean' over misclassified subset;
    # if no misclassified examples, loss is 0.0
    loss_sum = jnp.sum(jnp.where(misclassified_mask, ce, 0.0))
    loss = jnp.where(n_mis > 0, loss_sum / jnp.maximum(n_mis, 1.0), 0.0)
    return loss

if __name__ == "__main__":
    import jax
    _d = setup_inputs()
    print(jax.jit(kernel)(*tuple(_d.values())))

</pallas_src>

<mosaic_0001>
#map = affine_map<(d0, d1) -> (0)>
module attributes {stable_mosaic.version = 14 : i64} {
  func.func @k(%arg0: i32, %arg1: i32, %arg2: memref<102400000xf32, #tpu.memory_space<hbm>>, %arg3: memref<1024xi32, #tpu.memory_space<hbm>>, %arg4: memref<1024xf32, #tpu.memory_space<hbm>>, %arg5: memref<32xi32, #tpu.memory_space<vmem>>, %arg6: memref<32xi32, #tpu.memory_space<vmem>>, %arg7: memref<32xf32, #tpu.memory_space<vmem>>, %arg8: memref<!tpu.dma_semaphore, #tpu.memory_space<semaphore_mem>>) attributes {dimension_semantics = [#tpu.dimension_semantics<core_parallel>, #tpu.dimension_semantics<subcore_parallel>], iteration_bounds = array<i64: 2, 16>, scalar_prefetch = 0 : i64, scratch_operands = 4 : i64, tpu.core_type = #tpu.core_type<sc_vector_subcore>, window_params = [{transform_indices = #map}, {transform_indices = #map}, {transform_indices = #map}]} {
    %mul3A = arith.constant 2 : i32
    %mul3A_0 = arith.muli %arg1, %mul3A : i32
    %add3A = arith.addi %mul3A_0, %arg0 : i32
    %mul3A_1 = arith.constant 32 : i32
    %mul3A_2 = arith.muli %add3A, %mul3A_1 : i32
    "tpu.region"() ({
      %run_scoped3A = tpu.sem_alloc : memref<!tpu.dma_semaphore, #tpu.memory_space<semaphore_mem>>
      %dma_start3A_34 = tpu.memref_slice %arg3[%mul3A_2] : memref<1024xi32, #tpu.memory_space<hbm>> -> memref<32xi32, #tpu.memory_space<hbm>>
      %dma_start3A_35 = tpu.memref_slice %arg3[%mul3A_2] : memref<1024xi32, #tpu.memory_space<hbm>> -> memref<32xi32, #tpu.memory_space<hbm>>
      tpu.enqueue_dma source(%dma_start3A_35 : memref<32xi32, #tpu.memory_space<hbm>>) target(%arg5 : memref<32xi32, #tpu.memory_space<vmem>>) target_semaphore(%run_scoped3A : memref<!tpu.dma_semaphore, #tpu.memory_space<semaphore_mem>>)
      %dma_wait3A_36 = tpu.memref_slice %arg3[%mul3A_2] : memref<1024xi32, #tpu.memory_space<hbm>> -> memref<32xi32, #tpu.memory_space<hbm>>
      %dma_wait3A_37 = tpu.memref_slice %arg3[%mul3A_2] : memref<1024xi32, #tpu.memory_space<hbm>> -> memref<32xi32, #tpu.memory_space<hbm>>
      tpu.wait_dma2 semaphore(%run_scoped3A : memref<!tpu.dma_semaphore, #tpu.memory_space<semaphore_mem>>) src(%dma_wait3A_37 : memref<32xi32, #tpu.memory_space<hbm>>) dst(%arg5 : memref<32xi32, #tpu.memory_space<vmem>>)
      tpu.yield
    }) : () -> ()
    %get3A = arith.constant 0 : index
    %get3A_3 = tpu.vector_load %arg5[%get3A] {strides = array<i32>} : memref<32xi32, #tpu.memory_space<vmem>>, vector<16xi32>,
    %get3A_4 = vector.shape_cast %get3A_3 : vector<16xi32> to vector<16xi32>
    %add3A_5 = arith.constant 0 : i32
    %add3A_6 = arith.addi %mul3A_2, %add3A_5 : i32
    %iota3A = tpu.iota {dimensions = array<i32: 0>} : vector<16xi32>
    %add3A_7 = vector.broadcast %add3A_6 : i32 to vector<16xi32>
    %add3A_8 = arith.addi %add3A_7, %iota3A : vector<16xi32>
    %mul3A_9 = arith.constant 100000 : i32
    %mul3A_10 = vector.broadcast %mul3A_9 : i32 to vector<16xi32>
    %mul3A_11 = arith.muli %add3A_8, %mul3A_10 : vector<16xi32>
    %add3A_12 = arith.addi %mul3A_11, %get3A_4 : vector<16xi32>
    %swap3A = arith.constant 0 : index
    %swap3A_13 = tpu.vector_load %arg6[%swap3A] {strides = array<i32>} : memref<32xi32, #tpu.memory_space<vmem>>, vector<16xi32>,
    %swap3A_14 = vector.shape_cast %swap3A_13 : vector<16xi32> to vector<16xi32>
    %swap3A_15 = vector.shape_cast %add3A_12 : vector<16xi32> to vector<16xi32>
    tpu.vector_store %arg6[%swap3A], %swap3A_15 {strides = array<i32>} : memref<32xi32, #tpu.memory_space<vmem>>, vector<16xi32>,
    %get3A_16 = arith.constant 16 : index
    %get3A_17 = tpu.vector_load %arg5[%get3A_16] {strides = array<i32>} : memref<32xi32, #tpu.memory_space<vmem>>, vector<16xi32>,
    %get3A_18 = vector.shape_cast %get3A_17 : vector<16xi32> to vector<16xi32>
    %add3A_19 = arith.constant 16 : i32
    %add3A_20 = arith.addi %mul3A_2, %add3A_19 : i32
    %iota3A_21 = tpu.iota {dimensions = array<i32: 0>} : vector<16xi32>
    %add3A_22 = vector.broadcast %add3A_20 : i32 to vector<16xi32>
    %add3A_23 = arith.addi %add3A_22, %iota3A_21 : vector<16xi32>
    %mul3A_24 = arith.constant 100000 : i32
    %mul3A_25 = vector.broadcast %mul3A_24 : i32 to vector<16xi32>
    %mul3A_26 = arith.muli %add3A_23, %mul3A_25 : vector<16xi32>
    %add3A_27 = arith.addi %mul3A_26, %get3A_18 : vector<16xi32>
    %swap3A_28 = arith.constant 16 : index
    %swap3A_29 = tpu.vector_load %arg6[%swap3A_28] {strides = array<i32>} : memref<32xi32, #tpu.memory_space<vmem>>, vector<16xi32>,
    %swap3A_30 = vector.shape_cast %swap3A_29 : vector<16xi32> to vector<16xi32>
    %swap3A_31 = vector.shape_cast %add3A_27 : vector<16xi32> to vector<16xi32>
    tpu.vector_store %arg6[%swap3A_28], %swap3A_31 {strides = array<i32>} : memref<32xi32, #tpu.memory_space<vmem>>, vector<16xi32>,
    %dma_start3A = arith.constant 0 : i32
    %dma_start3A_32 = tpu.memref_slice %arg2[%dma_start3A] : memref<102400000xf32, #tpu.memory_space<hbm>> -> memref<102400000xf32, #tpu.memory_space<hbm>>
    tpu.enqueue_indirect_dma source(%dma_start3A_32 : memref<102400000xf32, #tpu.memory_space<hbm>>) target(%arg7 : memref<32xf32, #tpu.memory_space<vmem>>) offsets(%arg6 : memref<32xi32, #tpu.memory_space<vmem>>) semaphore(%arg8 : memref<!tpu.dma_semaphore, #tpu.memory_space<semaphore_mem>>)
    %dma_wait3A = arith.constant 0 : i32
    %dma_wait3A_33 = tpu.memref_slice %arg2[%dma_wait3A] : memref<102400000xf32, #tpu.memory_space<hbm>> -> memref<102400000xf32, #tpu.memory_space<hbm>>
    tpu.wait_indirect_dma semaphore(%arg8 : memref<!tpu.dma_semaphore, #tpu.memory_space<semaphore_mem>>) src(%dma_wait3A_33 : memref<102400000xf32, #tpu.memory_space<hbm>>) dst(%arg7 : memref<32xf32, #tpu.memory_space<vmem>>)
    "tpu.region"() ({
      %run_scoped3A = tpu.sem_alloc : memref<!tpu.dma_semaphore, #tpu.memory_space<semaphore_mem>>
      %dma_start3A_34 = tpu.memref_slice %arg4[%mul3A_2] : memref<1024xf32, #tpu.memory_space<hbm>> -> memref<32xf32, #tpu.memory_space<hbm>>
      %dma_start3A_35 = tpu.memref_slice %arg4[%mul3A_2] : memref<1024xf32, #tpu.memory_space<hbm>> -> memref<32xf32, #tpu.memory_space<hbm>>
      tpu.enqueue_dma source(%arg7 : memref<32xf32, #tpu.memory_space<vmem>>) target(%dma_start3A_35 : memref<32xf32, #tpu.memory_space<hbm>>) target_semaphore(%run_scoped3A : memref<!tpu.dma_semaphore, #tpu.memory_space<semaphore_mem>>)
      %dma_wait3A_36 = tpu.memref_slice %arg4[%mul3A_2] : memref<1024xf32, #tpu.memory_space<hbm>> -> memref<32xf32, #tpu.memory_space<hbm>>
      %dma_wait3A_37 = tpu.memref_slice %arg4[%mul3A_2] : memref<1024xf32, #tpu.memory_space<hbm>> -> memref<32xf32, #tpu.memory_space<hbm>>
      tpu.wait_dma2 semaphore(%run_scoped3A : memref<!tpu.dma_semaphore, #tpu.memory_space<semaphore_mem>>) src(%arg7 : memref<32xf32, #tpu.memory_space<vmem>>) dst(%dma_wait3A_37 : memref<32xf32, #tpu.memory_space<hbm>>)
      tpu.yield
    }) : () -> ()
    return
  }
}

module attributes {stable_mosaic.version = 14 : i64} {
  func.func @_body(%arg0: i32, %arg1: memref<8x1xi32, #tpu.memory_space<vmem>>, %arg2: memref<8x1xf32, #tpu.memory_space<vmem>>, %arg3: memref<8x100000xf32, #tpu.memory_space<vmem>>, %arg4: memref<1x1xf32, #tpu.memory_space<smem>>, %arg5: memref<2xf32, #tpu.memory_space<smem>>) attributes {dimension_semantics = [#tpu.dimension_semantics<arbitrary>], iteration_bounds = array<i64: 128>, scalar_prefetch = 0 : i64, scratch_operands = 1 : i64, tpu.core_type = #tpu.core_type<tc>, window_params = [{transform_indices = @transform_0, window_bounds = array<i64: 8, 1>}, {transform_indices = @transform_1, window_bounds = array<i64: 8, 1>}, {transform_indices = @transform_2, window_bounds = array<i64: 8, 100000>}, {transform_indices = @transform_3, window_bounds = array<i64: 1, 1>}]} {
    %eq3A = arith.constant 0 : i32
    %eq3A_0 = arith.cmpi eq, %arg0, %eq3A : i32
    %convert_element_type3A = arith.extui %eq3A_0 : i1 to i32
    %cond3A = arith.constant 0 : i32
    %cond3A_1 = arith.cmpi ne, %convert_element_type3A, %cond3A : i32
    scf.if %cond3A_1 {
      %swap3A_77 = arith.constant 0.000000e+00 : f32
      %swap3A_78 = arith.constant 0 : index
      %swap3A_79 = memref.load %arg5[%swap3A_78] : memref<2xf32, #tpu.memory_space<smem>>
      memref.store %swap3A_77, %arg5[%swap3A_78] : memref<2xf32, #tpu.memory_space<smem>>
      %swap3A_80 = arith.constant 0.000000e+00 : f32
      %swap3A_81 = arith.constant 1 : index
      %swap3A_82 = memref.load %arg5[%swap3A_81] : memref<2xf32, #tpu.memory_space<smem>>
      memref.store %swap3A_80, %arg5[%swap3A_81] : memref<2xf32, #tpu.memory_space<smem>>
    } else {
    }
    %get3A = arith.constant 0 : index
    %get3A_2 = arith.constant 0 : index
    %get3A_3 = vector.load %arg3[%get3A, %get3A_2] : memref<8x100000xf32, #tpu.memory_space<vmem>>, vector<8x100000xf32>
    %get3A_4 = arith.constant 0 : index
    %get3A_5 = arith.constant 0 : index
    %get3A_6 = vector.load %arg2[%get3A_4, %get3A_5] : memref<8x1xf32, #tpu.memory_space<vmem>>, vector<8x1xf32>
    %exp3A = math.exp %get3A_3 : vector<8x100000xf32>
    %reduce_sum3A = arith.constant dense<0.000000e+00> : vector<8xf32>
    %reduce_sum3A_7 = vector.multi_reduction <add>, %exp3A, %reduce_sum3A [1] : vector<8x100000xf32> to vector<8xf32>
    %broadcast_in_dim3A = vector.shape_cast %reduce_sum3A_7 : vector<8xf32> to vector<8x1xf32>
    %log3A = math.log %broadcast_in_dim3A : vector<8x1xf32>
    %sub3A = arith.subf %log3A, %get3A_6 : vector<8x1xf32>
    %gt3A = vector.broadcast %get3A_6 : vector<8x1xf32> to vector<8x100000xf32>
    %gt3A_8 = arith.cmpf ogt, %get3A_3, %gt3A : vector<8x100000xf32>
    %jit3A = arith.constant 1.000000e+00 : f32
    %jit3A_9 = arith.constant 0.000000e+00 : f32
    %broadcast_in_dim3A_10 = vector.broadcast %jit3A : f32 to vector<8x100000xf32>
    %broadcast_in_dim3A_11 = vector.broadcast %jit3A_9 : f32 to vector<8x100000xf32>
    %select_n3A = arith.select %gt3A_8, %broadcast_in_dim3A_10, %broadcast_in_dim3A_11 : vector<8x100000xi1>, vector<8x100000xf32>
    %reduce_sum3A_12 = arith.constant dense<0.000000e+00> : vector<8xf32>
    %reduce_sum3A_13 = vector.multi_reduction <add>, %select_n3A, %reduce_sum3A_12 [1] : vector<8x100000xf32> to vector<8xf32>
    %broadcast_in_dim3A_14 = vector.shape_cast %reduce_sum3A_13 : vector<8xf32> to vector<8x1xf32>
    %ge3A = vector.broadcast %get3A_6 : vector<8x1xf32> to vector<8x100000xf32>
    %ge3A_15 = arith.cmpf oge, %get3A_3, %ge3A : vector<8x100000xf32>
    %jit3A_16 = arith.constant 1.000000e+00 : f32
    %jit3A_17 = arith.constant 0.000000e+00 : f32
    %broadcast_in_dim3A_18 = vector.broadcast %jit3A_16 : f32 to vector<8x100000xf32>
    %broadcast_in_dim3A_19 = vector.broadcast %jit3A_17 : f32 to vector<8x100000xf32>
    %select_n3A_20 = arith.select %ge3A_15, %broadcast_in_dim3A_18, %broadcast_in_dim3A_19 : vector<8x100000xi1>, vector<8x100000xf32>
    %reduce_sum3A_21 = arith.constant dense<0.000000e+00> : vector<8xf32>
    %reduce_sum3A_22 = vector.multi_reduction <add>, %select_n3A_20, %reduce_sum3A_21 [1] : vector<8x100000xf32> to vector<8xf32>
    %broadcast_in_dim3A_23 = vector.shape_cast %reduce_sum3A_22 : vector<8xf32> to vector<8x1xf32>
    %gt3A_24 = arith.constant 4.500000e+00 : f32
    %gt3A_25 = vector.broadcast %gt3A_24 : f32 to vector<8x1xf32>
    %gt3A_26 = arith.cmpf ogt, %broadcast_in_dim3A_14, %gt3A_25 : vector<8x1xf32>
    %get3A_27 = arith.constant 0 : index
    %get3A_28 = memref.load %arg5[%get3A_27] : memref<2xf32, #tpu.memory_space<smem>>
    %jit3A_29 = arith.constant 0.000000e+00 : f32
    %broadcast_in_dim3A_30 = vector.broadcast %jit3A_29 : f32 to vector<8x1xf32>
    %select_n3A_31 = arith.select %gt3A_26, %sub3A, %broadcast_in_dim3A_30 : vector<8x1xi1>, vector<8x1xf32>
    %reduce_sum3A_32 = vector.shape_cast %select_n3A_31 : vector<8x1xf32> to vector<1x8x1xf32>
    %reduce_sum3A_33 = arith.constant dense<0.000000e+00> : vector<1xf32>
    %reduce_sum3A_34 = vector.multi_reduction <add>, %reduce_sum3A_32, %reduce_sum3A_33 [1, 2] : vector<1x8x1xf32> to vector<1xf32>
    %reduce_sum3A_35 = vector.shape_cast %reduce_sum3A_34 : vector<1xf32> to vector<1x1x1xf32>
    %reduce_sum3A_36 = vector.extract %reduce_sum3A_35[0, 0, 0] : f32 from vector<1x1x1xf32>
    %add3A = arith.addf %get3A_28, %reduce_sum3A_36 : f32
    %swap3A = arith.constant 0 : index
    %swap3A_37 = memref.load %arg5[%swap3A] : memref<2xf32, #tpu.memory_space<smem>>
    memref.store %add3A, %arg5[%swap3A] : memref<2xf32, #tpu.memory_space<smem>>
    %get3A_38 = arith.constant 1 : index
    %get3A_39 = memref.load %arg5[%get3A_38] : memref<2xf32, #tpu.memory_space<smem>>
    %jit3A_40 = arith.constant 1.000000e+00 : f32
    %jit3A_41 = arith.constant 0.000000e+00 : f32
    %broadcast_in_dim3A_42 = vector.broadcast %jit3A_40 : f32 to vector<8x1xf32>
    %broadcast_in_dim3A_43 = vector.broadcast %jit3A_41 : f32 to vector<8x1xf32>
    %select_n3A_44 = arith.select %gt3A_26, %broadcast_in_dim3A_42, %broadcast_in_dim3A_43 : vector<8x1xi1>, vector<8x1xf32>
    %reduce_sum3A_45 = vector.shape_cast %select_n3A_44 : vector<8x1xf32> to vector<1x8x1xf32>
    %reduce_sum3A_46 = arith.constant dense<0.000000e+00> : vector<1xf32>
    %reduce_sum3A_47 = vector.multi_reduction <add>, %reduce_sum3A_45, %reduce_sum3A_46 [1, 2] : vector<1x8x1xf32> to vector<1xf32>
    %reduce_sum3A_48 = vector.shape_cast %reduce_sum3A_47 : vector<1xf32> to vector<1x1x1xf32>
    %reduce_sum3A_49 = vector.extract %reduce_sum3A_48[0, 0, 0] : f32 from vector<1x1x1xf32>
    %add3A_50 = arith.addf %get3A_39, %reduce_sum3A_49 : f32
    %swap3A_51 = arith.constant 1 : index
    %swap3A_52 = memref.load %arg5[%swap3A_51] : memref<2xf32, #tpu.memory_space<smem>>
    memref.store %add3A_50, %arg5[%swap3A_51] : memref<2xf32, #tpu.memory_space<smem>>
    %sub3A_53 = arith.subf %broadcast_in_dim3A_23, %broadcast_in_dim3A_14 : vector<8x1xf32>
    %gt3A_54 = arith.constant 1.500000e+00 : f32
    %gt3A_55 = vector.broadcast %gt3A_54 : f32 to vector<8x1xf32>
    %gt3A_56 = arith.cmpf ogt, %sub3A_53, %gt3A_55 : vector<8x1xf32>
    %jit3A_57 = arith.constant 1.000000e+00 : f32
    %jit3A_58 = arith.constant 0.000000e+00 : f32
    %broadcast_in_dim3A_59 = vector.broadcast %jit3A_57 : f32 to vector<8x1xf32>
    %broadcast_in_dim3A_60 = vector.broadcast %jit3A_58 : f32 to vector<8x1xf32>
    %select_n3A_61 = arith.select %gt3A_56, %broadcast_in_dim3A_59, %broadcast_in_dim3A_60 : vector<8x1xi1>, vector<8x1xf32>
    %reduce_sum3A_62 = vector.shape_cast %select_n3A_61 : vector<8x1xf32> to vector<1x8x1xf32>
    %reduce_sum3A_63 = arith.constant dense<0.000000e+00> : vector<1xf32>
    %reduce_sum3A_64 = vector.multi_reduction <add>, %reduce_sum3A_62, %reduce_sum3A_63 [1, 2] : vector<1x8x1xf32> to vector<1xf32>
    %reduce_sum3A_65 = vector.shape_cast %reduce_sum3A_64 : vector<1xf32> to vector<1x1x1xf32>
    %reduce_sum3A_66 = vector.extract %reduce_sum3A_65[0, 0, 0] : f32 from vector<1x1x1xf32>
    %gt3A_67 = arith.constant 0.000000e+00 : f32
    %gt3A_68 = arith.cmpf ogt, %reduce_sum3A_66, %gt3A_67 : f32
    %convert_element_type3A_69 = arith.extui %gt3A_68 : i1 to i32
    %cond3A_70 = arith.constant 0 : i32
    %cond3A_71 = arith.cmpi ne, %convert_element_type3A_69, %cond3A_70 : i32
    scf.if %cond3A_71 {
      %get3A_77 = arith.constant 0 : index
      %get3A_78 = arith.constant 0 : index
      %get3A_79 = vector.load %arg1[%get3A_77, %get3A_78] : memref<8x1xi32, #tpu.memory_space<vmem>>, vector<8x1xi32>
      %iota3A = tpu.iota {dimensions = array<i32: 1>} : vector<8x100000xi32>
      %eq3A_80 = vector.broadcast %get3A_6 : vector<8x1xf32> to vector<8x100000xf32>
      %eq3A_81 = arith.cmpf oeq, %get3A_3, %eq3A_80 : vector<8x100000xf32>
      %lt3A = vector.broadcast %get3A_79 : vector<8x1xi32> to vector<8x100000xi32>
      %lt3A_82 = arith.cmpi slt, %iota3A, %lt3A : vector<8x100000xi32>
      %and3A = arith.andi %eq3A_81, %lt3A_82 : vector<8x100000xi1>
      %jit3A_83 = arith.constant 1.000000e+00 : f32
      %jit3A_84 = arith.constant 0.000000e+00 : f32
      %broadcast_in_dim3A_85 = vector.broadcast %jit3A_83 : f32 to vector<8x100000xf32>
      %broadcast_in_dim3A_86 = vector.broadcast %jit3A_84 : f32 to vector<8x100000xf32>
      %select_n3A_87 = arith.select %and3A, %broadcast_in_dim3A_85, %broadcast_in_dim3A_86 : vector<8x100000xi1>, vector<8x100000xf32>
      %reduce_sum3A_88 = arith.constant dense<0.000000e+00> : vector<8xf32>
      %reduce_sum3A_89 = vector.multi_reduction <add>, %select_n3A_87, %reduce_sum3A_88 [1] : vector<8x100000xf32> to vector<8xf32>
      %broadcast_in_dim3A_90 = vector.shape_cast %reduce_sum3A_89 : vector<8xf32> to vector<8x1xf32>
      %add3A_91 = arith.addf %broadcast_in_dim3A_14, %broadcast_in_dim3A_90 : vector<8x1xf32>
      %gt3A_92 = arith.constant 4.500000e+00 : f32
      %gt3A_93 = vector.broadcast %gt3A_92 : f32 to vector<8x1xf32>
      %gt3A_94 = arith.cmpf ogt, %add3A_91, %gt3A_93 : vector<8x1xf32>
      %get3A_95 = arith.constant 0 : index
      %get3A_96 = memref.load %arg5[%get3A_95] : memref<2xf32, #tpu.memory_space<smem>>
      %jit3A_97 = arith.constant 0.000000e+00 : f32
      %broadcast_in_dim3A_98 = vector.broadcast %jit3A_97 : f32 to vector<8x1xf32>
      %select_n3A_99 = arith.select %gt3A_94, %sub3A, %broadcast_in_dim3A_98 : vector<8x1xi1>, vector<8x1xf32>
      %reduce_sum3A_100 = vector.shape_cast %select_n3A_99 : vector<8x1xf32> to vector<1x8x1xf32>
      %reduce_sum3A_101 = arith.constant dense<0.000000e+00> : vector<1xf32>
      %reduce_sum3A_102 = vector.multi_reduction <add>, %reduce_sum3A_100, %reduce_sum3A_101 [1, 2] : vector<1x8x1xf32> to vector<1xf32>
      %reduce_sum3A_103 = vector.shape_cast %reduce_sum3A_102 : vector<1xf32> to vector<1x1x1xf32>
      %reduce_sum3A_104 = vector.extract %reduce_sum3A_103[0, 0, 0] : f32 from vector<1x1x1xf32>
      %jit3A_105 = arith.constant 0.000000e+00 : f32
      %broadcast_in_dim3A_106 = vector.broadcast %jit3A_105 : f32 to vector<8x1xf32>
      %select_n3A_107 = arith.select %gt3A_26, %sub3A, %broadcast_in_dim3A_106 : vector<8x1xi1>, vector<8x1xf32>
      %reduce_sum3A_108 = vector.shape_cast %select_n3A_107 : vector<8x1xf32> to vector<1x8x1xf32>
      %reduce_sum3A_109 = arith.constant dense<0.000000e+00> : vector<1xf32>
      %reduce_sum3A_110 = vector.multi_reduction <add>, %reduce_sum3A_108, %reduce_sum3A_109 [1, 2] : vector<1x8x1xf32> to vector<1xf32>
      %reduce_sum3A_111 = vector.shape_cast %reduce_sum3A_110 : vector<1xf32> to vector<1x1x1xf32>
      %reduce_sum3A_112 = vector.extract %reduce_sum3A_111[0, 0, 0] : f32 from vector<1x1x1xf32>
      %sub3A_113 = arith.subf %reduce_sum3A_104, %reduce_sum3A_112 : f32
      %add3A_114 = arith.addf %get3A_96, %sub3A_113 : f32
      %swap3A_115 = arith.constant 0 : index
      %swap3A_116 = memref.load %arg5[%swap3A_115] : memref<2xf32, #tpu.memory_space<smem>>
      memref.store %add3A_114, %arg5[%swap3A_115] : memref<2xf32, #tpu.memory_space<smem>>
      %get3A_117 = arith.constant 1 : index
      %get3A_118 = memref.load %arg5[%get3A_117] : memref<2xf32, #tpu.memory_space<smem>>
      %jit3A_119 = arith.constant 1.000000e+00 : f32
      %jit3A_120 = arith.constant 0.000000e+00 : f32
      %broadcast_in_dim3A_121 = vector.broadcast %jit3A_119 : f32 to vector<8x1xf32>
      %broadcast_in_dim3A_122 = vector.broadcast %jit3A_120 : f32 to vector<8x1xf32>
      %select_n3A_123 = arith.select %gt3A_94, %broadcast_in_dim3A_121, %broadcast_in_dim3A_122 : vector<8x1xi1>, vector<8x1xf32>
      %reduce_sum3A_124 = vector.shape_cast %select_n3A_123 : vector<8x1xf32> to vector<1x8x1xf32>
      %reduce_sum3A_125 = arith.constant dense<0.000000e+00> : vector<1xf32>
      %reduce_sum3A_126 = vector.multi_reduction <add>, %reduce_sum3A_124, %reduce_sum3A_125 [1, 2] : vector<1x8x1xf32> to vector<1xf32>
      %reduce_sum3A_127 = vector.shape_cast %reduce_sum3A_126 : vector<1xf32> to vector<1x1x1xf32>
      %reduce_sum3A_128 = vector.extract %reduce_sum3A_127[0, 0, 0] : f32 from vector<1x1x1xf32>
      %jit3A_129 = arith.constant 1.000000e+00 : f32
      %jit3A_130 = arith.constant 0.000000e+00 : f32
      %broadcast_in_dim3A_131 = vector.broadcast %jit3A_129 : f32 to vector<8x1xf32>
      %broadcast_in_dim3A_132 = vector.broadcast %jit3A_130 : f32 to vector<8x1xf32>
      %select_n3A_133 = arith.select %gt3A_26, %broadcast_in_dim3A_131, %broadcast_in_dim3A_132 : vector<8x1xi1>, vector<8x1xf32>
      %reduce_sum3A_134 = vector.shape_cast %select_n3A_133 : vector<8x1xf32> to vector<1x8x1xf32>
      %reduce_sum3A_135 = arith.constant dense<0.000000e+00> : vector<1xf32>
      %reduce_sum3A_136 = vector.multi_reduction <add>, %reduce_sum3A_134, %reduce_sum3A_135 [1, 2] : vector<1x8x1xf32> to vector<1xf32>
      %reduce_sum3A_137 = vector.shape_cast %reduce_sum3A_136 : vector<1xf32> to vector<1x1x1xf32>
      %reduce_sum3A_138 = vector.extract %reduce_sum3A_137[0, 0, 0] : f32 from vector<1x1x1xf32>
      %sub3A_139 = arith.subf %reduce_sum3A_128, %reduce_sum3A_138 : f32
      %add3A_140 = arith.addf %get3A_118, %sub3A_139 : f32
      %swap3A_141 = arith.constant 1 : index
      %swap3A_142 = memref.load %arg5[%swap3A_141] : memref<2xf32, #tpu.memory_space<smem>>
      memref.store %add3A_140, %arg5[%swap3A_141] : memref<2xf32, #tpu.memory_space<smem>>
    } else {
    }
    %eq3A_72 = arith.constant 127 : i32
    %eq3A_73 = arith.cmpi eq, %arg0, %eq3A_72 : i32
    %convert_element_type3A_74 = arith.extui %eq3A_73 : i1 to i32
    %cond3A_75 = arith.constant 0 : i32
    %cond3A_76 = arith.cmpi ne, %convert_element_type3A_74, %cond3A_75 : i32
    scf.if %cond3A_76 {
      %get3A_77 = arith.constant 1 : index
      %get3A_78 = memref.load %arg5[%get3A_77] : memref<2xf32, #tpu.memory_space<smem>>
      %gt3A_79 = arith.constant 0.000000e+00 : f32
      %gt3A_80 = arith.cmpf ogt, %get3A_78, %gt3A_79 : f32
      %get3A_81 = arith.constant 0 : index
      %get3A_82 = memref.load %arg5[%get3A_81] : memref<2xf32, #tpu.memory_space<smem>>
      %max3A = arith.constant 1.000000e+00 : f32
      %max3A_83 = arith.maximumf %get3A_78, %max3A : f32
      %div3A = arith.divf %get3A_82, %max3A_83 : f32
      %jit3A_84 = arith.constant 0.000000e+00 : f32
      %select_n3A_85 = arith.select %gt3A_80, %div3A, %jit3A_84 : f32
      %swap3A_86 = arith.constant 0 : index
      %swap3A_87 = arith.constant 0 : index
      %swap3A_88 = memref.load %arg4[%swap3A_86, %swap3A_87] : memref<1x1xf32, #tpu.memory_space<smem>>
      memref.store %select_n3A_85, %arg4[%swap3A_86, %swap3A_87] : memref<1x1xf32, #tpu.memory_space<smem>>
    } else {
    }
    return
  }
  func.func @transform_0(%arg0: i32) -> (i32, i32) {
    %c0_i32 = arith.constant 0 : i32
    %c0_i32_0 = arith.constant 0 : i32
    return %arg0, %c0_i32 : i32, i32
  }
  func.func @transform_1(%arg0: i32) -> (i32, i32) {
    %c0_i32 = arith.constant 0 : i32
    %c0_i32_0 = arith.constant 0 : i32
    return %arg0, %c0_i32 : i32, i32
  }
  func.func @transform_2(%arg0: i32) -> (i32, i32) {
    %c0_i32 = arith.constant 0 : i32
    %c0_i32_0 = arith.constant 0 : i32
    return %arg0, %c0_i32 : i32, i32
  }
  func.func @transform_3(%arg0: i32) -> (i32, i32) {
    %c0_i32 = arith.constant 0 : i32
    %c0_i32_0 = arith.constant 0 : i32
    %c0_i32_1 = arith.constant 0 : i32
    return %c0_i32, %c0_i32_0 : i32, i32
  }
}

</mosaic_0001>

<sc_bundles>
// kernel: kernel.4.cloned.1.call-start
scs
__scs_entry_jumppad:
0x0: {  	(pc) =	sbr.rel $0x88, $3  }
0x1: {  	(tag) =	ssettag $0x0;
	lr =	simm.s32 $0x1  }
0x2: {  	[smem:$0x3F9F] =	sst lr;
	_ =	strace $0xD0000000  }
0x3: {  	_ = 	snop  }
0x4: {  	_ = 	snop  }
0x5: {  	_ = 	snop  }
0x6: {  	_ = 	snop  }
0x7: {  	_ = 	snop  }
__scs_overlays_trampoline_lowered:
0x8: {  	[smem:$0x3FAE] =	sst s0  }
0x9: {  	[smem:$0x3FAF] =	sst s1  }
0xa: {  	[smem:$0x3FB0] =	sst s2  }
0xb: {  	[smem:$0x3FB1] =	sst s3  }
0xc: {  	[smem:$0x3FB2] =	sst s4  }
0xd: {  	[smem:$0x3FB3] =	sst s5  }
0xe: {  	[smem:$0x3FB4] =	sst s6  }
0xf: {  	[smem:$0x3FB5] =	sst s7  }
0x10: {  	[smem:$0x3FB6] =	sst s8  }
0x11: {  	[smem:$0x3FB7] =	sst s9;
	s0 =	simm.s32 @!p0 $0x0  }
0x12: {  	s1 =	sld [smem:$0x3F9D];
	s0 =	simm.s32 @p0 $0x1  }
0x13: {  	[smem:$0x3FB8] =	sst s0;
	s0 =	simm.s32 @!p1 $0x0  }
0x14: {  	s2 =	sld [smem:$0x3F9C];
	s0 =	simm.s32 @p1 $0x1  }
0x15: {  	[smem:$0x3FB9] =	sst s0;
	s0 =	simm.s32 @!p2 $0x0  }
0x16: {  	s3 =	sld [smem:$0x3FDB];
	s0 =	simm.s32 @p2 $0x1  }
0x17: {  	s4 =	simm.s32 $0x1BF5;
	[smem:$0x3FBB] =	sst s0  }
0x18: {  	s0 =	sld [smem:$0x3F9E];
	_ =	swait.ge [sflag:s4], $0x0  }
0x19: {  	s7 =	sld [smem:$0x3F9F]  }
0x1a: {  	s8 =	sadd.s32 $0xFFFFE003, lr  }
0x1b: {  	s9 =	sadd.s32 $0xFFFFFEF7, lr;
	s5 =	simm.s32 $0xFFFFFFFF;
	p2 =	slt.u32 s8, $0xFFFFF086  }
0x1c: {  	p1 =	slt.u32 s9, $0xF7A;
	s5 =	simm.s32 @!p2 $0x0  }
0x1d: {  	s5 =	simm.s32 @p1 $0x1;
	p0 =	seq.s32 s7, s2  }
0x1e: {  	s7 =	smul.u32 @!p0 $0xF7A, s2;
	p2 =	seq.s32 @!p0 s5, $0x0  }
0x1f: {  	s9 =	smul.u32 $0xF7A, s1;
	s8 =	simm.s32 @!p0 $0x1BF5;
	p2 =	por !p2, p0  }
0x20: {  	[sflag:s8] =	ssyncset.s32 @!p0 $0xFFFFF086;
	s6 =	sadd.s32 @!p0 s3, s7;
	s7 =	simm.s32 @!p0 $0x108  }
0x21: {  	s3 =	sadd.s32 s3, s9;
	s6 =	sadd.s32 @!p0 $0x88, s6;
	s7 =	simm.s32 @p2 $0x1082  }
0x22: {  	[simem:s7], [sflag:s8] =	dma.local @!p0 [hbm:s6], $0xF7A  }
0x23: {  	s9 =	sor.u32 $0xD0000000, s2;
	s6 =	simm.s32 $0x108;
	_ =	swait.ge @!p0 [sflag:s8], $0x0  }
0x24: {  	s3 =	sadd.s32 $0x88, s3;
	s6 =	simm.s32 @!p1 $0x1082;
	[sflag:s4] =	ssyncset.s32 $0xFFFFF086  }
0x25: {  	[simem:s6], [sflag:s4] =	dma.local [hbm:s3], $0xF7A  }
0x26: {  	[smem:$0x3F9F] =	sst s1;
	(tag) =	ssettag s2;
	_ =	strace s9  }
0x27: {  	s1 =	sld [smem:$0x3FAF]  }
0x28: {  	s2 =	sld [smem:$0x3FB0]  }
0x29: {  	s4 =	sld [smem:$0x3FB2]  }
0x2a: {  	p0 =	seq.s32 s5, $0x0;
	s5 =	sld [smem:$0x3FB3]  }
0x2b: {  	s6 =	sld [smem:$0x3FB4]  }
0x2c: {  	s7 =	sld [smem:$0x3FB5]  }
0x2d: {  	s3 =	simm.s32 $0x108;
	s8 =	sld [smem:$0x3FB6]  }
0x2e: {  	s3 =	simm.s32 @!p0 $0x1082;
	s9 =	sld [smem:$0x3FB7]  }
0x2f: {  	lr =	sadd.s32 s0, s3;
	s0 =	sld [smem:$0x3FAE]  }
0x30: {  	s3 =	sld [smem:$0x3FB1]  }
0x31: {  	[smem:$0x3FBA] =	sst s10  }
0x32: {  	s10 =	sld [smem:$0x3FB8];
	_ =	sdelay $0x3  }
0x33: {  	p0 =	seq.s32 s10, $0x1;
	s10 =	sld [smem:$0x3FBA];
	_ =	sdelay $0x3  }
0x34: {  	[smem:$0x3FBA] =	sst s10  }
0x35: {  	s10 =	sld [smem:$0x3FB9];
	_ =	sdelay $0x3  }
0x36: {  	p1 =	seq.s32 s10, $0x1;
	s10 =	sld [smem:$0x3FBA];
	_ =	sdelay $0x3  }
0x37: {  	[smem:$0x3FBA] =	sst s10  }
0x38: {  	s10 =	sld [smem:$0x3FBB]  }
0x39: {  	_ = 	snop;
	(pc) =	sbr.ind lr, $3  }
0x3a: {  	_ = 	snop  }
0x3b: {  	_ = 	snop  }
0x3c: {  	p2 =	seq.s32 s10, $0x1;
	s10 =	sld [smem:$0x3FBA]  }
0x3d: {  	_ =	shalt  }
0x3e: {  	_ =	shalt  }
0x3f: {  	_ =	shalt  }
0x40: {  	_ =	shalt  }
0x41: {  	_ =	shalt  }
0x42: {  	_ =	shalt  }
0x43: {  	_ =	shalt  }
0x44: {  	_ =	shalt  }
0x45: {  	_ =	shalt  }
0x46: {  	_ =	shalt  }
0x47: {  	_ =	shalt  }
0x48: {  	_ =	shalt  }
0x49: {  	_ =	shalt  }
0x4a: {  	_ =	shalt  }
0x4b: {  	_ =	shalt  }
0x4c: {  	_ =	shalt  }
0x4d: {  	_ =	shalt  }
0x4e: {  	_ =	shalt  }
0x4f: {  	_ =	shalt  }
0x50: {  	_ =	shalt  }
0x51: {  	_ =	shalt  }
0x52: {  	_ =	shalt  }
0x53: {  	_ =	shalt  }
0x54: {  	_ =	shalt  }
0x55: {  	_ =	shalt  }
0x56: {  	_ =	shalt  }
0x57: {  	_ =	shalt  }
0x58: {  	_ =	shalt  }
0x59: {  	_ =	shalt  }
0x5a: {  	_ =	shalt  }
0x5b: {  	_ =	shalt  }
0x5c: {  	_ =	shalt  }
0x5d: {  	_ =	shalt  }
0x5e: {  	_ =	shalt  }
0x5f: {  	_ =	shalt  }
0x60: {  	_ =	shalt  }
0x61: {  	_ =	shalt  }
0x62: {  	_ =	shalt  }
0x63: {  	_ =	shalt  }
0x64: {  	_ =	shalt  }
0x65: {  	_ =	shalt  }
0x66: {  	_ =	shalt  }
0x67: {  	_ =	shalt  }
0x68: {  	_ =	shalt  }
0x69: {  	_ =	shalt  }
0x6a: {  	_ =	shalt  }
0x6b: {  	_ =	shalt  }
0x6c: {  	_ =	shalt  }
0x6d: {  	_ =	shalt  }
0x6e: {  	_ =	shalt  }
0x6f: {  	_ =	shalt  }
0x70: {  	_ =	shalt  }
0x71: {  	_ =	shalt  }
0x72: {  	_ =	shalt  }
0x73: {  	_ =	shalt  }
0x74: {  	_ =	shalt  }
0x75: {  	_ =	shalt  }
0x76: {  	_ =	shalt  }
0x77: {  	_ =	shalt  }
0x78: {  	_ =	shalt  }
0x79: {  	_ =	shalt  }
0x7a: {  	_ =	shalt  }
0x7b: {  	_ =	shalt  }
0x7c: {  	_ =	shalt  }
0x7d: {  	_ =	shalt  }
0x7e: {  	_ =	shalt  }
0x7f: {  	_ =	shalt  }
0x80: {  	_ =	shalt  }
0x81: {  	_ =	shalt  }
0x82: {  	_ =	shalt  }
0x83: {  	_ =	shalt  }
0x84: {  	_ =	shalt  }
0x85: {  	_ =	shalt  }
0x86: {  	_ =	shalt  }
0x87: {  	_ =	shalt  }
.Lfunc_end0:
.L_simem_size_0:
called_computation_lowered:
.L_overlay_start_0:
0x88: {  	s2 =	sld [smem:$0x3FD9]  }
0x89: {  	s3 =	sld [smem:$0x3FFE];
	_ =	sdelay $0x1  }
0x8a: {  	s1 =	srdreg.scid  }
0x8b: {  	s0 =	sand.u32 $0x1, s1  }
0x8c: {  	s17 =	sshll.u32 s0, $0xA;
	s2 =	sadd.s32 s3, s2  }
0x8d: {  	s2 =	sadd.s32 s2, s17  }
0x8e: {  	[smem:$0x3FC6] =	sst s2  }
0x8f: {  	_ = 	snop  }
0x90: {  	s2 =	sld [smem:$0x3FC8];
	(tm) =	ssettm $0x1  }
0x91: {  	s18 =	sld [smem:$0x3FFB];
	_ =	sdelay $0x3  }
0x92: {  	_ =	strace s18  }
0x93: {  	s3 =	sld [smem:$0x3FFC];
	_ =	sdelay $0x3  }
0x94: {  	_ =	strace s3  }
0x95: {  	s3 =	sld [smem:$0x3FFD];
	_ =	sdelay $0x3  }
0x96: {  	_ =	strace s3  }
0x97: {  	_ =	strace $0x8FFFFFFF  }
0x98: {  	s19 =	sld [smem:$0x3FDB];
	_ =	sdelay $0x1  }
0x99: {  	s4 =	simm.s32 $_scs_section_size  }
0x9a: {  	s5 =	simm.s32 $_size__tile_overlayer_lowered;
	s6 =	simm.s32 $_tile_overlayer_lowered  }
0x9b: {  	s22 =	simm.s32 $0x1BFF;
	s21 =	sshll.u32 s6, $0x1;
	s3 =	sadd.s32 s4, s19  }
0x9c: {  	s7 =	simm.s32 $0x0;
	s20 =	sshll.u32 s5, $0x1;
	s5 =	sadd.s32 s21, s3  }
0x9d: {  	[timem:s7], [sflag:s22] =	dma.local [hbm:s5], s20  }
0x9e: {  	_ =	swait.ge [sflag:s22], s20  }
0x9f: {  	s4 =	ssub.s32 $0x0, s20;
	[sflag:s22] =	ssyncset.done $0x0  }
0xa0: {  	[sflag:s22] =	ssyncadd.s32 s4;
	_ =	sdelay $0x1  }
0xa1: {  	s23 =	simm.s32 $0x1B8B  }
0xa2: {  	_ =	swait.ge [sflag:s23], $0x1  }
0xa3: {  	[sflag:s23] =	ssyncset.done $0x0  }
0xa4: {  	s25 =	simm.s32 $0x1B8E;
	s24 =	sld [smem:$0x3FFE];
	[sflag:s23] =	ssyncadd.s32 $0xFFFFFFFF  }
0xa5: {  	s26 =	simm.s32 $execute0_lowered;
	[smem:$0x3FD2] =	sst s25  }
0xa6: {  	s5 =	sshll.u32 s26, $0x1;
	_ =	strace $0x80000046;
	[dreg:$0x1] =	wrdreg $0xFFFFFFFF  }
0xa7: {  	s28 =	simm.s32 $_size_execute0_lowered;
	s3 =	sadd.s32 s3, s5;
	[dreg:$0x0] =	wrdreg $0x0  }
0xa8: {  	s5 =	sshll.u32 s28, $0x1;
	[dreg:$0x2] =	wrdreg s3  }
0xa9: {  	[dreg:$0x3] =	wrdreg s5  }
0xaa: {  	[dreg:$0x4] =	wrdreg $0xC0  }
0xab: {  	_ =	task [dreg:s7], $0x5FFFF  }
0xac: {  	[dreg:$0x1] =	wrdreg $0xFFFFFFFF  }
0xad: {  	[dreg:$0x0] =	wrdreg $0x60  }
0xae: {  	[dreg:$0x2] =	wrdreg s24  }
0xaf: {  	[dreg:$0x3] =	wrdreg s2  }
0xb0: {  	[dreg:$0x4] =	wrdreg $0x9  }
0xb1: {  	_ =	task.clear_ibuf [dreg:s7], $0x5FFFF;
	_ =	strace $0x90000046  }
0xb2: {  	s29 =	simm.s32 $0x9;
	_ =	strace $0x80000048  }
0xb3: {  	_ =	swait.ge [sflag:s29], $0x1  }
0xb4: {  	[sflag:s29] =	ssyncadd.s32 $0xFFFFFFFF  }
0xb5: {  	_ =	strace $0x90000048  }
0xb6: {  	_ =	sfence  }
0xb7: {  	s30 =	sld [smem:$0x0];
	_ =	sdelay $0x2  }
0xb8: {  	s31 =	sshll.u32 s1, $0xD;
	s1 =	sshrl.u32 s1, $0x2  }
0xb9: {  	s3 =	sand.u32 $0x4000, s31;
	s1 =	sadd.s32 s1, s30  }
0xba: {  	s0 =	sor.u32 s3, s0;
	s1 =	sshll.u32 s1, $0x11  }
0xbb: {  	s0 =	sor.u32 s1, s0  }
0xbc: {  	s0 =	sadd.s32 $0x8F2B, s0  }
0xbd: {  	[sflag:s0] =	ssyncadd.remote.s32 $0x1  }
0xbe: {  	_ =	sfence.sel $0xFFFF  }
0xbf: {  	[dreg:$0x0] =	wrdreg $0xFFFFFFFF;
	(pc) =	sbr.abs _section_cstart, $3  }
0xc0: {  	[dreg:$0x1] =	wrdreg $0xFFFFFFFF  }
0xc1: {  	_ =	task.clear_ibuf [dreg:s7], $0x2FFFF;
	_ =	strace $0x9FFFFFFF  }
0xc2: {  	(tm) =	ssettm $0x7FFFFFFF  }
0xc3: {  	_ =	shalt  }
tec
execute0_lowered:
.L_overlay_start_1:
0x0: {  	(tag) =	ssettag $0x1  }
0x1: {  	s1 =	srdreg.scid  }
0x2: {  	s10 =	rddreg [dreg:$0x0];
	s0 =	stileid.u32;
	s6 =	sand.u32 $0x1, s1  }
0x3: {  	s3 =	rddreg [dreg:$0x1];
	s4 =	sshll.u32 s0, $0x6;
	s5 =	sshll.u32 s6, $0x5  }
0x4: {  	s2 =	simm.s32 $0x0;
	s1 =	rddreg [dreg:$0x2];
	s5 =	sor.u32 s5, s4  }
0x5: {  	[smem:$0x7FF] =	sst s2;
	s11 =	sshrl.u32 s5, $0x3  }
0x6: {  	_ =	strace $0x80000047;
	s4 =	sadd.s32 s3, s11;
	s3 =	simm.s32 $0x2  }
0x7: {  	[tilespmem:s2], [sflag:$0x2] =	stream.linear.gather [hbm4b:s4+s2], $0x20, $0x38;
	[tilespmem:$0x180] =	vst v63  }
0x8: {  	_ =	swait.ge [sflag:s3], $0x20  }
0x9: {  	[sflag:s3] =	ssyncset.done $0x0  }
0xa: {  	v0 =	vmov s5;
	s5 =	sor.u32 $0x10, s5;
	[sflag:s3] =	ssyncadd.s32 $0xFFFFFFE0  }
0xb: {  	v0 =	vmul.u32 $0x186A0, v0;
	v1 =	vmov s5;
	v2 =	vld [tilespmem:$0x0]  }
0xc: {  	v3 =	vlaneseq.u32;
	v1 =	vmul.u32 $0x186A0, v1;
	v4 =	vld [tilespmem:$0x10]  }
0xd: {  	v3 =	vmul.u32 $0x186A0, v3;
	v0 =	vbroadcast v0, $0x0  }
0xe: {  	s12 =	ssub.s32 $0x2, s6;
	v1 =	vbroadcast v1, $0x0  }
0xf: {  	s13 =	sshrl.u32 s12, $0x1;
	v0 =	vadd.s32 v3, v0  }
0x10: {  	s7 =	simm.s32 $0x80;
	s8 =	simm.s32 $0x100;
	s31 =	ssub.s32 s12, s13;
	v1 =	vadd.s32 v3, v1;
	v2 =	vadd.s32 v2, v0  }
0x11: {  	s5 =	sadd.s32 $0xC38600, s10;
	s10 =	sadd.s32 s11, s10;
	s11 =	smax.u32 s31, $0x1;
	[tilespmem:$0x80] =	vst v2;
	v2 =	vadd.s32 v4, v1  }
0x12: {  	s9 =	simm.s32 $0x1;
	s6 =	simm.s32 $0x20;
	p0 =	sne.s32 s11, $0x1;
	[tilespmem:$0x90] =	vst v2  }
0x13: {  	[tilespmem:s8], [sflag:$0x1] =	stream.indirect.gather [hbm4b:s5+s6], $0x1, s7, s6, $0xb8;
	[tilespmem:$0x180] =	vst v63  }
.Ltmp0:
0x14: {  	_ =	swait.ge [sflag:s9], $0x20;
	(pc) =	sbr.rel @!p0 .LBB2_2-.Ltmp0, $4  }
0x15: {  	[sflag:s9] =	ssyncset.done $0x0  }
0x16: {  	s10 =	sadd.s32 $0x186D600, s10;
	[sflag:s9] =	ssyncadd.s32 $0xFFFFFFE0  }
0x17: {  	[hbm4b:s10+s2] =	stream.linear.scatter [tilespmem:s8], [sflag:$0x2], $0x20, $0x38;
	[tilespmem:$0x180] =	vst v63  }
0x18: {  	s11 =	sadd.s32 $0xFFFFFFFF, s11;
	_ =	swait.ge [sflag:s3], $0x20  }
.LBB2_1:
0x19: {  	p0 =	sne.s32 s11, $0x1;
	s11 =	sadd.s32 $0xFFFFFFFF, s11;
	[sflag:s3] =	ssyncset.done $0x0  }
0x1a: {  	[sflag:s3] =	ssyncadd.s32 $0xFFFFFFE0  }
0x1b: {  	[tilespmem:s2], [sflag:$0x2] =	stream.linear.gather [hbm4b:s4+s2], $0x20, $0x38;
	[tilespmem:$0x180] =	vst v63  }
0x1c: {  	_ =	swait.ge [sflag:s3], $0x20  }
0x1d: {  	[sflag:s3] =	ssyncset.done $0x0  }
0x1e: {  	[sflag:s3] =	ssyncadd.s32 $0xFFFFFFE0  }
0x1f: {  	v2 =	vld [tilespmem:$0x0]  }
0x20: {  	v3 =	vld [tilespmem:$0x10];
	_ =	sdelay $0x3  }
0x21: {  	v2 =	vadd.s32 v2, v0  }
0x22: {  	[tilespmem:$0x80] =	vst v2;
	v2 =	vadd.s32 v3, v1  }
0x23: {  	[tilespmem:$0x90] =	vst v2  }
0x24: {  	[tilespmem:s8], [sflag:$0x1] =	stream.indirect.gather [hbm4b:s5+s6], $0x1, s7, s6, $0xb8;
	[tilespmem:$0x180] =	vst v63  }
.Ltmp1:
0x25: {  	_ =	swait.ge [sflag:s9], $0x20;
	(pc) =	sbr.rel @p0 .LBB2_1-.Ltmp1, $4  }
0x26: {  	[sflag:s9] =	ssyncset.done $0x0  }
0x27: {  	[sflag:s9] =	ssyncadd.s32 $0xFFFFFFE0  }
0x28: {  	[hbm4b:s10+s2] =	stream.linear.scatter [tilespmem:s8], [sflag:$0x2], $0x20, $0x38;
	[tilespmem:$0x180] =	vst v63  }
0x29: {  	_ =	swait.ge [sflag:s3], $0x20  }
.LBB2_2:
0x2a: {  	[sflag:s3] =	ssyncset.done $0x0  }
0x2b: {  	[sflag:s3] =	ssyncadd.s32 $0xFFFFFFE0  }
0x2c: {  	_ =	sfence.sel $0x180000  }
0x2d: {  	[bflag:$0x0] =	sbarrier.arrive $0xFFFF  }
0x2e: {  	p0 =	sne.s32 s0, $0x0;
	_ =	strace $0x90000047  }
0x2f: {  	s0 =	sadd.s32 @!p0 $0x100000, s1;
	[bflag:$0x2] =	sbarrier.arrive $0xFFFF  }
0x30: {  	[sflag:s0] =	ssyncadd.tile.s32 @!p0 $0x1;
	_ =	shalt  }
.Lfunc_end2:
_tile_overlayer_lowered:
.L_overlay_start_2:
0x31: {  	(tag) =	ssettag $0x2  }
0x32: {  	s0 =	rddreg [dreg:$0x0];
	s2 =	stileid.u32  }
0x33: {  	s1 =	rddreg [dreg:$0x1];
	p0 =	sne.s32 s2, $0x0  }
0x34: {  	s3 =	rddreg [dreg:$0x2];
	[bflag:$0x3] =	sbarrier.arrive $0xFFFF;
	s2 =	simm.s32 @!p0 $0x1C02  }
0x35: {  	[timem:s3], [sflag:s2] =	dma.local @!p0 [hbm:s0], s1  }
0x36: {  	s0 =	simm.s32 @!p0 $0x2  }
0x37: {  	_ =	swait.ge @!p0 [sflag:s0], s1  }
0x38: {  	s1 =	ssub.s32 @!p0 $0x0, s1;
	[sflag:s0] =	ssyncset.done @!p0 $0x0  }
0x39: {  	[sflag:s0] =	ssyncadd.s32 @!p0 s1  }
0x3a: {  	[bflag:$0x3] =	sbarrier.arrive $0xFFFF  }
0x3b: {  	_ =	shalt  }

</sc_bundles>
